<compile_context>
chip_gen: v7x
topology: tpu7x:2x2x1
jax: 0.10.2.dev20260603
libtpu: 0.0.44.dev20260713+nightly
codegen_flags: <defaults>
</compile_context>

<pallas_src>
import functools
import jax
import jax.numpy as jnp
from jax import lax
from jax.experimental import pallas as pl
from jax.experimental.pallas import tpu as pltpu
from jax.experimental.pallas import tpu_sc as plsc

_NF = 26
_VOCAB = 100000
_D = 32
_NC_FIELDS = 13
_NBINS = 16


def _make_sc_gather(n_rows, d, n_idx):
    info = plsc.get_sparse_core_info()
    ncores, nsub = info.num_cores, info.num_subcores
    nw = ncores * nsub
    assert n_idx % nw == 0
    per_w = n_idx // nw
    assert (per_w * 8) % 8 == 0

    mesh = plsc.VectorSubcoreMesh(core_axis_name="c", subcore_axis_name="s")

    @functools.partial(
        pl.kernel,
        out_type=jax.ShapeDtypeStruct((n_idx, d), jnp.float32),
        mesh=mesh,
        scratch_types=[
            pltpu.VMEM((per_w,), jnp.int32),
            pltpu.VMEM((per_w, d), jnp.float32),
            pltpu.SemaphoreType.DMA,
        ],
        compiler_params=pltpu.CompilerParams(use_tc_tiling_on_sc=False),
    )
    def gather(table_hbm, idx_hbm, out_hbm, idx_v, rows_v, sem):
        wid = lax.axis_index("s") * ncores + lax.axis_index("c")
        base = wid * per_w
        pltpu.sync_copy(idx_hbm.at[pl.ds(base, per_w)], idx_v)
        pltpu.async_copy(table_hbm.at[idx_v], rows_v, sem).wait()
        pltpu.sync_copy(rows_v, out_hbm.at[pl.ds(base, per_w)])

    return gather


def _plr_body(x_ref, e_ref, bins_ref, wt_ref, b_ref, o_ref):
    xb = jnp.dot(x_ref[...], e_ref[...], preferred_element_type=jnp.float32)
    plr = jnp.maximum(1.0 - jnp.abs(xb - bins_ref[...]), 0.0)
    o_ref[...] = (
        jnp.dot(plr, wt_ref[...], preferred_element_type=jnp.float32) + b_ref[...]
    )


def kernel(x_cat, x_cont, tables, bin_boundaries, W, b, cls_token):
    bsz = x_cat.shape[0]
    nf, vocab, d = tables.shape
    ncf, nbins = bin_boundaries.shape

    offs = (jnp.arange(nf, dtype=jnp.int32) * vocab)[None, :]
    idx_flat = (x_cat.astype(jnp.int32) + offs).reshape(-1)
    table_flat = tables.reshape(nf * vocab, d)
    gather = _make_sc_gather(nf * vocab, d, bsz * nf)
    cat_t = gather(table_flat, idx_flat).reshape(bsz, nf, d)

    expand = (
        jnp.repeat(jnp.eye(ncf, dtype=jnp.float32), nbins, axis=1)
    )
    bins_row = bin_boundaries.reshape(1, ncf * nbins)
    b_row = b.reshape(1, ncf * d)
    blk = 512
    grid = (bsz // blk,)
    cont_flat = pl.pallas_call(
        _plr_body,
        out_shape=jax.ShapeDtypeStruct((bsz, ncf * d), jnp.float32),
        grid=grid,
        in_specs=[
            pl.BlockSpec((blk, ncf), lambda i: (i, 0)),
            pl.BlockSpec((ncf, ncf * nbins), lambda i: (0, 0)),
            pl.BlockSpec((1, ncf * nbins), lambda i: (0, 0)),
            pl.BlockSpec((ncf * nbins, ncf * d), lambda i: (0, 0)),
            pl.BlockSpec((1, ncf * d), lambda i: (0, 0)),
        ],
        out_specs=pl.BlockSpec((blk, ncf * d), lambda i: (i, 0)),
    )(x_cont, expand, bins_row, W.T, b_row)
    cont_t = cont_flat.reshape(bsz, ncf, d)

    cls_t = jnp.broadcast_to(cls_token, (bsz, 1, d))
    return jnp.concatenate([cls_t, cat_t, cont_t], axis=1)

# --- scband reference (transcript-rebuilt; emitter-appended) ---
"""Pipeline reference for scband-feature-tokenizer-57157424775871 (READ-ONLY COPY).

The authoritative reference and input builder live on the scoring server;
editing this copy changes nothing except your own understanding.
"""

import jax, jax.numpy as jnp
import numpy as np

B = 4096
N_FIELDS = 26
VOCAB = 100000
D = 32
N_CONT = 13
N_BINS = 16


def setup_inputs(seed: int = 0) -> dict:
    key = jax.random.key(seed)
    ks = jax.random.split(key, 8)
    x_cat = jax.random.randint(ks[0], (B, N_FIELDS), 0, VOCAB, dtype=jnp.int64 if jax.config.jax_enable_x64 else jnp.int32)
    x_cont = jax.random.normal(ks[1], (B, N_CONT), dtype=jnp.float32)
    # learned parameters
    tables = jax.random.normal(ks[2], (N_FIELDS, VOCAB, D), dtype=jnp.float32) * 0.02
    bin_boundaries = jnp.tile(jnp.linspace(-3.0, 3.0, N_BINS, dtype=jnp.float32)[None, :], (N_CONT, 1))
    W = jax.random.normal(ks[3], (N_CONT * D, N_CONT * N_BINS), dtype=jnp.float32) * 0.05
    b = jax.random.normal(ks[4], (N_CONT * D,), dtype=jnp.float32) * 0.05
    cls_token = jax.random.normal(ks[5], (1, 1, D), dtype=jnp.float32) * 0.02
    return {"x_cat": x_cat, "x_cont": x_cont, "tables": tables,
            "bin_boundaries": bin_boundaries, "W": W, "b": b, "cls_token": cls_token}


def reference(x_cat, x_cont, tables, bin_boundaries, W, b, cls_token):
    Bsz = x_cat.shape[0]
    # categorical embedding lookups (dropout is identity in eval mode)
    cat_t = jax.vmap(lambda t, idx: jnp.take(t, idx, axis=0), in_axes=(0, 1), out_axes=1)(tables, x_cat)
    # PLR continuous embedding
    plr = jax.nn.relu(1.0 - jnp.abs(x_cont[:, :, None] - bin_boundaries[None, :, :]))
    plr_flat = plr.reshape(Bsz, -1)
    cont_t = (plr_flat @ W.T + b).reshape(Bsz, N_CONT, D)
    cls_t = jnp.broadcast_to(cls_token, (Bsz, 1, D))
    return jnp.concatenate([cls_t, cat_t, cont_t], axis=1)

if __name__ == "__main__":
    import jax
    _d = setup_inputs()
    print(jax.jit(kernel)(*tuple(_d.values())))

</pallas_src>

<mosaic_0001>
#map = affine_map<(d0, d1) -> (0, 0)>
#map1 = affine_map<(d0, d1) -> (0)>
module attributes {stable_mosaic.version = 14 : i64} {
  func.func @gather(%arg0: i32, %arg1: i32, %arg2: memref<2600000x32xf32, #tpu.memory_space<hbm>>, %arg3: memref<106496xi32, #tpu.memory_space<hbm>>, %arg4: memref<106496x32xf32, #tpu.memory_space<hbm>>, %arg5: memref<3328xi32, #tpu.memory_space<vmem>>, %arg6: memref<3328x32xf32, #tpu.memory_space<vmem>>, %arg7: memref<!tpu.dma_semaphore, #tpu.memory_space<semaphore_mem>>) attributes {dimension_semantics = [#tpu.dimension_semantics<core_parallel>, #tpu.dimension_semantics<subcore_parallel>], iteration_bounds = array<i64: 2, 16>, scalar_prefetch = 0 : i64, scratch_operands = 3 : i64, tpu.core_type = #tpu.core_type<sc_vector_subcore>, window_params = [{transform_indices = #map}, {transform_indices = #map1}, {transform_indices = #map}]} {
    %mul3A = arith.constant 2 : i32
    %mul3A_0 = arith.muli %arg1, %mul3A : i32
    %add3A = arith.addi %mul3A_0, %arg0 : i32
    %mul3A_1 = arith.constant 3328 : i32
    %mul3A_2 = arith.muli %add3A, %mul3A_1 : i32
    "tpu.region"() ({
      %run_scoped3A = tpu.sem_alloc : memref<!tpu.dma_semaphore, #tpu.memory_space<semaphore_mem>>
      %dma_start3A_7 = tpu.memref_slice %arg3[%mul3A_2] : memref<106496xi32, #tpu.memory_space<hbm>> -> memref<3328xi32, #tpu.memory_space<hbm>>
      %dma_start3A_8 = tpu.memref_slice %arg3[%mul3A_2] : memref<106496xi32, #tpu.memory_space<hbm>> -> memref<3328xi32, #tpu.memory_space<hbm>>
      tpu.enqueue_dma source(%dma_start3A_8 : memref<3328xi32, #tpu.memory_space<hbm>>) target(%arg5 : memref<3328xi32, #tpu.memory_space<vmem>>) target_semaphore(%run_scoped3A : memref<!tpu.dma_semaphore, #tpu.memory_space<semaphore_mem>>)
      %dma_wait3A_9 = tpu.memref_slice %arg3[%mul3A_2] : memref<106496xi32, #tpu.memory_space<hbm>> -> memref<3328xi32, #tpu.memory_space<hbm>>
      %dma_wait3A_10 = tpu.memref_slice %arg3[%mul3A_2] : memref<106496xi32, #tpu.memory_space<hbm>> -> memref<3328xi32, #tpu.memory_space<hbm>>
      tpu.wait_dma2 semaphore(%run_scoped3A : memref<!tpu.dma_semaphore, #tpu.memory_space<semaphore_mem>>) src(%dma_wait3A_10 : memref<3328xi32, #tpu.memory_space<hbm>>) dst(%arg5 : memref<3328xi32, #tpu.memory_space<vmem>>)
      tpu.yield
    }) : () -> ()
    %dma_start3A = arith.constant 0 : i32
    %dma_start3A_3 = arith.constant 0 : i32
    %dma_start3A_4 = tpu.memref_slice %arg2[%dma_start3A, %dma_start3A_3] : memref<2600000x32xf32, #tpu.memory_space<hbm>> -> memref<2600000x32xf32, #tpu.memory_space<hbm>>
    tpu.enqueue_indirect_dma source(%dma_start3A_4 : memref<2600000x32xf32, #tpu.memory_space<hbm>>) target(%arg6 : memref<3328x32xf32, #tpu.memory_space<vmem>>) offsets(%arg5 : memref<3328xi32, #tpu.memory_space<vmem>>) semaphore(%arg7 : memref<!tpu.dma_semaphore, #tpu.memory_space<semaphore_mem>>)
    %dma_wait3A = arith.constant 0 : i32
    %dma_wait3A_5 = arith.constant 0 : i32
    %dma_wait3A_6 = tpu.memref_slice %arg2[%dma_wait3A, %dma_wait3A_5] : memref<2600000x32xf32, #tpu.memory_space<hbm>> -> memref<2600000x32xf32, #tpu.memory_space<hbm>>
    tpu.wait_indirect_dma semaphore(%arg7 : memref<!tpu.dma_semaphore, #tpu.memory_space<semaphore_mem>>) src(%dma_wait3A_6 : memref<2600000x32xf32, #tpu.memory_space<hbm>>) dst(%arg6 : memref<3328x32xf32, #tpu.memory_space<vmem>>)
    "tpu.region"() ({
      %run_scoped3A = tpu.sem_alloc : memref<!tpu.dma_semaphore, #tpu.memory_space<semaphore_mem>>
      %dma_start3A_7 = arith.constant 0 : i32
      %dma_start3A_8 = tpu.memref_slice %arg4[%mul3A_2, %dma_start3A_7] : memref<106496x32xf32, #tpu.memory_space<hbm>> -> memref<3328x32xf32, #tpu.memory_space<hbm>>
      %dma_start3A_9 = arith.constant 0 : i32
      %dma_start3A_10 = tpu.memref_slice %arg4[%mul3A_2, %dma_start3A_9] : memref<106496x32xf32, #tpu.memory_space<hbm>> -> memref<3328x32xf32, #tpu.memory_space<hbm>>
      tpu.enqueue_dma source(%arg6 : memref<3328x32xf32, #tpu.memory_space<vmem>>) target(%dma_start3A_10 : memref<3328x32xf32, #tpu.memory_space<hbm>>) target_semaphore(%run_scoped3A : memref<!tpu.dma_semaphore, #tpu.memory_space<semaphore_mem>>)
      %dma_wait3A_11 = arith.constant 0 : i32
      %dma_wait3A_12 = tpu.memref_slice %arg4[%mul3A_2, %dma_wait3A_11] : memref<106496x32xf32, #tpu.memory_space<hbm>> -> memref<3328x32xf32, #tpu.memory_space<hbm>>
      %dma_wait3A_13 = arith.constant 0 : i32
      %dma_wait3A_14 = tpu.memref_slice %arg4[%mul3A_2, %dma_wait3A_13] : memref<106496x32xf32, #tpu.memory_space<hbm>> -> memref<3328x32xf32, #tpu.memory_space<hbm>>
      tpu.wait_dma2 semaphore(%run_scoped3A : memref<!tpu.dma_semaphore, #tpu.memory_space<semaphore_mem>>) src(%arg6 : memref<3328x32xf32, #tpu.memory_space<vmem>>) dst(%dma_wait3A_14 : memref<3328x32xf32, #tpu.memory_space<hbm>>)
      tpu.yield
    }) : () -> ()
    return
  }
}

module attributes {stable_mosaic.version = 14 : i64} {
  func.func @_plr_body(%arg0: i32, %arg1: memref<512x13xf32, #tpu.memory_space<vmem>>, %arg2: memref<13x208xf32, #tpu.memory_space<vmem>>, %arg3: memref<1x208xf32, #tpu.memory_space<vmem>>, %arg4: memref<208x416xf32, #tpu.memory_space<vmem>>, %arg5: memref<1x416xf32, #tpu.memory_space<vmem>>, %arg6: memref<512x416xf32, #tpu.memory_space<vmem>>) attributes {dimension_semantics = [#tpu.dimension_semantics<arbitrary>], iteration_bounds = array<i64: 8>, scalar_prefetch = 0 : i64, scratch_operands = 0 : i64, tpu.core_type = #tpu.core_type<tc>, window_params = [{transform_indices = @transform_0, window_bounds = array<i64: 512, 13>}, {pipeline_mode = #tpu.pipeline_mode<synchronous>, transform_indices = @transform_1, window_bounds = array<i64: 13, 208>}, {pipeline_mode = #tpu.pipeline_mode<synchronous>, transform_indices = @transform_2, window_bounds = array<i64: 1, 208>}, {pipeline_mode = #tpu.pipeline_mode<synchronous>, transform_indices = @transform_3, window_bounds = array<i64: 208, 416>}, {pipeline_mode = #tpu.pipeline_mode<synchronous>, transform_indices = @transform_4, window_bounds = array<i64: 1, 416>}, {transform_indices = @transform_5, window_bounds = array<i64: 512, 416>}]} {
    %get3A = arith.constant 0 : index
    %get3A_0 = arith.constant 0 : index
    %get3A_1 = vector.load %arg1[%get3A, %get3A_0] : memref<512x13xf32, #tpu.memory_space<vmem>>, vector<512x13xf32>
    %get3A_2 = arith.constant 0 : index
    %get3A_3 = arith.constant 0 : index
    %get3A_4 = vector.load %arg2[%get3A_2, %get3A_3] : memref<13x208xf32, #tpu.memory_space<vmem>>, vector<13x208xf32>
    %dot_general3A = arith.constant dense<0.000000e+00> : vector<512x208xf32>
    %dot_general3A_5 = tpu.matmul %get3A_1, %get3A_4, %dot_general3A {dimension_numbers = #tpu.dot_dimension_numbers<[1], [0], [0], [1], [0, 0, 1, 1], [], []>, transpose_lhs_hint = false} : vector<512x13xf32>, vector<13x208xf32>, vector<512x208xf32> -> vector<512x208xf32>
    %get3A_6 = arith.constant 0 : index
    %get3A_7 = arith.constant 0 : index
    %get3A_8 = vector.load %arg3[%get3A_6, %get3A_7] : memref<1x208xf32, #tpu.memory_space<vmem>>, vector<1x208xf32>
    %sub3A = vector.broadcast %get3A_8 : vector<1x208xf32> to vector<512x208xf32>
    %sub3A_9 = arith.subf %dot_general3A_5, %sub3A : vector<512x208xf32>
    %abs3A = math.absf %sub3A_9 : vector<512x208xf32>
    %sub3A_10 = arith.constant 1.000000e+00 : f32
    %sub3A_11 = vector.broadcast %sub3A_10 : f32 to vector<512x208xf32>
    %sub3A_12 = arith.subf %sub3A_11, %abs3A : vector<512x208xf32>
    %max3A = arith.constant 0.000000e+00 : f32
    %max3A_13 = vector.broadcast %max3A : f32 to vector<512x208xf32>
    %max3A_14 = arith.maximumf %sub3A_12, %max3A_13 : vector<512x208xf32>
    %get3A_15 = arith.constant 0 : index
    %get3A_16 = arith.constant 0 : index
    %get3A_17 = vector.load %arg4[%get3A_15, %get3A_16] : memref<208x416xf32, #tpu.memory_space<vmem>>, vector<208x416xf32>
    %dot_general3A_18 = arith.constant dense<0.000000e+00> : vector<512x416xf32>
    %dot_general3A_19 = tpu.matmul %max3A_14, %get3A_17, %dot_general3A_18 {dimension_numbers = #tpu.dot_dimension_numbers<[1], [0], [0], [1], [0, 0, 1, 1], [], []>, transpose_lhs_hint = false} : vector<512x208xf32>, vector<208x416xf32>, vector<512x416xf32> -> vector<512x416xf32>
    %get3A_20 = arith.constant 0 : index
    %get3A_21 = arith.constant 0 : index
    %get3A_22 = vector.load %arg5[%get3A_20, %get3A_21] : memref<1x416xf32, #tpu.memory_space<vmem>>, vector<1x416xf32>
    %add3A = vector.broadcast %get3A_22 : vector<1x416xf32> to vector<512x416xf32>
    %add3A_23 = arith.addf %dot_general3A_19, %add3A : vector<512x416xf32>
    %swap3A = arith.constant 0 : index
    %swap3A_24 = arith.constant 0 : index
    %swap3A_25 = vector.load %arg6[%swap3A, %swap3A_24] : memref<512x416xf32, #tpu.memory_space<vmem>>, vector<512x416xf32>
    tpu.vector_store %arg6[%swap3A, %swap3A_24], %add3A_23 {strides = array<i32>} : memref<512x416xf32, #tpu.memory_space<vmem>>, vector<512x416xf32>,
    return
  }
  func.func @transform_0(%arg0: i32) -> (i32, i32) {
    %c0_i32 = arith.constant 0 : i32
    %c0_i32_0 = arith.constant 0 : i32
    return %arg0, %c0_i32 : i32, i32
  }
  func.func @transform_1(%arg0: i32) -> (i32, i32) {
    %c0_i32 = arith.constant 0 : i32
    %c0_i32_0 = arith.constant 0 : i32
    %c0_i32_1 = arith.constant 0 : i32
    return %c0_i32, %c0_i32_0 : i32, i32
  }
  func.func @transform_2(%arg0: i32) -> (i32, i32) {
    %c0_i32 = arith.constant 0 : i32
    %c0_i32_0 = arith.constant 0 : i32
    %c0_i32_1 = arith.constant 0 : i32
    return %c0_i32, %c0_i32_0 : i32, i32
  }
  func.func @transform_3(%arg0: i32) -> (i32, i32) {
    %c0_i32 = arith.constant 0 : i32
    %c0_i32_0 = arith.constant 0 : i32
    %c0_i32_1 = arith.constant 0 : i32
    return %c0_i32, %c0_i32_0 : i32, i32
  }
  func.func @transform_4(%arg0: i32) -> (i32, i32) {
    %c0_i32 = arith.constant 0 : i32
    %c0_i32_0 = arith.constant 0 : i32
    %c0_i32_1 = arith.constant 0 : i32
    return %c0_i32, %c0_i32_0 : i32, i32
  }
  func.func @transform_5(%arg0: i32) -> (i32, i32) {
    %c0_i32 = arith.constant 0 : i32
    %c0_i32_0 = arith.constant 0 : i32
    return %arg0, %c0_i32 : i32, i32
  }
}

</mosaic_0001>

<sc_bundles>
// kernel: kernel.4.cloned.1.call-start
scs
__scs_entry_jumppad:
0x0: {  	(pc) =	sbr.rel $0x88, $3  }
0x1: {  	(tag) =	ssettag $0x0;
	lr =	simm.s32 $0x1  }
0x2: {  	[smem:$0x3F9A] =	sst lr;
	_ =	strace $0xD0000000  }
0x3: {  	_ = 	snop  }
0x4: {  	_ = 	snop  }
0x5: {  	_ = 	snop  }
0x6: {  	_ = 	snop  }
0x7: {  	_ = 	snop  }
__scs_overlays_trampoline_lowered:
0x8: {  	[smem:$0x3FA9] =	sst s0  }
0x9: {  	[smem:$0x3FAA] =	sst s1  }
0xa: {  	[smem:$0x3FAB] =	sst s2  }
0xb: {  	[smem:$0x3FAC] =	sst s3  }
0xc: {  	[smem:$0x3FAD] =	sst s4  }
0xd: {  	[smem:$0x3FAE] =	sst s5  }
0xe: {  	[smem:$0x3FAF] =	sst s6  }
0xf: {  	[smem:$0x3FB0] =	sst s7  }
0x10: {  	[smem:$0x3FB1] =	sst s8  }
0x11: {  	[smem:$0x3FB2] =	sst s9;
	s0 =	simm.s32 @!p0 $0x0  }
0x12: {  	s1 =	sld [smem:$0x3F98];
	s0 =	simm.s32 @p0 $0x1  }
0x13: {  	[smem:$0x3FB3] =	sst s0;
	s0 =	simm.s32 @!p1 $0x0  }
0x14: {  	s2 =	sld [smem:$0x3F97];
	s0 =	simm.s32 @p1 $0x1  }
0x15: {  	[smem:$0x3FB4] =	sst s0;
	s0 =	simm.s32 @!p2 $0x0  }
0x16: {  	s3 =	sld [smem:$0x3FDB];
	s0 =	simm.s32 @p2 $0x1  }
0x17: {  	s4 =	simm.s32 $0x1BF5;
	[smem:$0x3FB6] =	sst s0  }
0x18: {  	s0 =	sld [smem:$0x3F99];
	_ =	swait.ge [sflag:s4], $0x0  }
0x19: {  	s7 =	sld [smem:$0x3F9A]  }
0x1a: {  	s8 =	sadd.s32 $0xFFFFE003, lr  }
0x1b: {  	s9 =	sadd.s32 $0xFFFFFEF7, lr;
	s5 =	simm.s32 $0xFFFFFFFF;
	p2 =	slt.u32 s8, $0xFFFFF086  }
0x1c: {  	p1 =	slt.u32 s9, $0xF7A;
	s5 =	simm.s32 @!p2 $0x0  }
0x1d: {  	s5 =	simm.s32 @p1 $0x1;
	p0 =	seq.s32 s7, s2  }
0x1e: {  	s7 =	smul.u32 @!p0 $0xF7A, s2;
	p2 =	seq.s32 @!p0 s5, $0x0  }
0x1f: {  	s9 =	smul.u32 $0xF7A, s1;
	s8 =	simm.s32 @!p0 $0x1BF5;
	p2 =	por !p2, p0  }
0x20: {  	[sflag:s8] =	ssyncset.s32 @!p0 $0xFFFFF086;
	s6 =	sadd.s32 @!p0 s3, s7;
	s7 =	simm.s32 @!p0 $0x108  }
0x21: {  	s3 =	sadd.s32 s3, s9;
	s6 =	sadd.s32 @!p0 $0x88, s6;
	s7 =	simm.s32 @p2 $0x1082  }
0x22: {  	[simem:s7], [sflag:s8] =	dma.local @!p0 [hbm:s6], $0xF7A  }
0x23: {  	s9 =	sor.u32 $0xD0000000, s2;
	s6 =	simm.s32 $0x108;
	_ =	swait.ge @!p0 [sflag:s8], $0x0  }
0x24: {  	s3 =	sadd.s32 $0x88, s3;
	s6 =	simm.s32 @!p1 $0x1082;
	[sflag:s4] =	ssyncset.s32 $0xFFFFF086  }
0x25: {  	[simem:s6], [sflag:s4] =	dma.local [hbm:s3], $0xF7A  }
0x26: {  	[smem:$0x3F9A] =	sst s1;
	(tag) =	ssettag s2;
	_ =	strace s9  }
0x27: {  	s1 =	sld [smem:$0x3FAA]  }
0x28: {  	s2 =	sld [smem:$0x3FAB]  }
0x29: {  	s4 =	sld [smem:$0x3FAD]  }
0x2a: {  	p0 =	seq.s32 s5, $0x0;
	s5 =	sld [smem:$0x3FAE]  }
0x2b: {  	s6 =	sld [smem:$0x3FAF]  }
0x2c: {  	s7 =	sld [smem:$0x3FB0]  }
0x2d: {  	s3 =	simm.s32 $0x108;
	s8 =	sld [smem:$0x3FB1]  }
0x2e: {  	s3 =	simm.s32 @!p0 $0x1082;
	s9 =	sld [smem:$0x3FB2]  }
0x2f: {  	lr =	sadd.s32 s0, s3;
	s0 =	sld [smem:$0x3FA9]  }
0x30: {  	s3 =	sld [smem:$0x3FAC]  }
0x31: {  	[smem:$0x3FB5] =	sst s10  }
0x32: {  	s10 =	sld [smem:$0x3FB3];
	_ =	sdelay $0x3  }
0x33: {  	p0 =	seq.s32 s10, $0x1;
	s10 =	sld [smem:$0x3FB5];
	_ =	sdelay $0x3  }
0x34: {  	[smem:$0x3FB5] =	sst s10  }
0x35: {  	s10 =	sld [smem:$0x3FB4];
	_ =	sdelay $0x3  }
0x36: {  	p1 =	seq.s32 s10, $0x1;
	s10 =	sld [smem:$0x3FB5];
	_ =	sdelay $0x3  }
0x37: {  	[smem:$0x3FB5] =	sst s10  }
0x38: {  	s10 =	sld [smem:$0x3FB6]  }
0x39: {  	_ = 	snop;
	(pc) =	sbr.ind lr, $3  }
0x3a: {  	_ = 	snop  }
0x3b: {  	_ = 	snop  }
0x3c: {  	p2 =	seq.s32 s10, $0x1;
	s10 =	sld [smem:$0x3FB5]  }
0x3d: {  	_ =	shalt  }
0x3e: {  	_ =	shalt  }
0x3f: {  	_ =	shalt  }
0x40: {  	_ =	shalt  }
0x41: {  	_ =	shalt  }
0x42: {  	_ =	shalt  }
0x43: {  	_ =	shalt  }
0x44: {  	_ =	shalt  }
0x45: {  	_ =	shalt  }
0x46: {  	_ =	shalt  }
0x47: {  	_ =	shalt  }
0x48: {  	_ =	shalt  }
0x49: {  	_ =	shalt  }
0x4a: {  	_ =	shalt  }
0x4b: {  	_ =	shalt  }
0x4c: {  	_ =	shalt  }
0x4d: {  	_ =	shalt  }
0x4e: {  	_ =	shalt  }
0x4f: {  	_ =	shalt  }
0x50: {  	_ =	shalt  }
0x51: {  	_ =	shalt  }
0x52: {  	_ =	shalt  }
0x53: {  	_ =	shalt  }
0x54: {  	_ =	shalt  }
0x55: {  	_ =	shalt  }
0x56: {  	_ =	shalt  }
0x57: {  	_ =	shalt  }
0x58: {  	_ =	shalt  }
0x59: {  	_ =	shalt  }
0x5a: {  	_ =	shalt  }
0x5b: {  	_ =	shalt  }
0x5c: {  	_ =	shalt  }
0x5d: {  	_ =	shalt  }
0x5e: {  	_ =	shalt  }
0x5f: {  	_ =	shalt  }
0x60: {  	_ =	shalt  }
0x61: {  	_ =	shalt  }
0x62: {  	_ =	shalt  }
0x63: {  	_ =	shalt  }
0x64: {  	_ =	shalt  }
0x65: {  	_ =	shalt  }
0x66: {  	_ =	shalt  }
0x67: {  	_ =	shalt  }
0x68: {  	_ =	shalt  }
0x69: {  	_ =	shalt  }
0x6a: {  	_ =	shalt  }
0x6b: {  	_ =	shalt  }
0x6c: {  	_ =	shalt  }
0x6d: {  	_ =	shalt  }
0x6e: {  	_ =	shalt  }
0x6f: {  	_ =	shalt  }
0x70: {  	_ =	shalt  }
0x71: {  	_ =	shalt  }
0x72: {  	_ =	shalt  }
0x73: {  	_ =	shalt  }
0x74: {  	_ =	shalt  }
0x75: {  	_ =	shalt  }
0x76: {  	_ =	shalt  }
0x77: {  	_ =	shalt  }
0x78: {  	_ =	shalt  }
0x79: {  	_ =	shalt  }
0x7a: {  	_ =	shalt  }
0x7b: {  	_ =	shalt  }
0x7c: {  	_ =	shalt  }
0x7d: {  	_ =	shalt  }
0x7e: {  	_ =	shalt  }
0x7f: {  	_ =	shalt  }
0x80: {  	_ =	shalt  }
0x81: {  	_ =	shalt  }
0x82: {  	_ =	shalt  }
0x83: {  	_ =	shalt  }
0x84: {  	_ =	shalt  }
0x85: {  	_ =	shalt  }
0x86: {  	_ =	shalt  }
0x87: {  	_ =	shalt  }
.Lfunc_end0:
.L_simem_size_0:
called_computation_lowered:
.L_overlay_start_0:
0x88: {  	s2 =	sld [smem:$0x3FD9]  }
0x89: {  	s3 =	sld [smem:$0x3FFE];
	_ =	sdelay $0x1  }
0x8a: {  	s1 =	srdreg.scid  }
0x8b: {  	s0 =	sand.u32 $0x1, s1  }
0x8c: {  	s17 =	sshll.u32 s0, $0xA;
	s2 =	sadd.s32 s3, s2  }
0x8d: {  	s2 =	sadd.s32 s2, s17  }
0x8e: {  	[smem:$0x3FC1] =	sst s2  }
0x8f: {  	_ = 	snop  }
0x90: {  	s2 =	sld [smem:$0x3FD0];
	(tm) =	ssettm $0x1  }
0x91: {  	s18 =	sld [smem:$0x3FFB];
	_ =	sdelay $0x3  }
0x92: {  	_ =	strace s18  }
0x93: {  	s3 =	sld [smem:$0x3FFC];
	_ =	sdelay $0x3  }
0x94: {  	_ =	strace s3  }
0x95: {  	s3 =	sld [smem:$0x3FFD];
	_ =	sdelay $0x3  }
0x96: {  	_ =	strace s3  }
0x97: {  	_ =	strace $0x8FFFFFFF  }
0x98: {  	s19 =	sld [smem:$0x3FDB];
	_ =	sdelay $0x1  }
0x99: {  	s4 =	simm.s32 $_scs_section_size  }
0x9a: {  	s5 =	simm.s32 $_size__tile_overlayer_lowered;
	s6 =	simm.s32 $_tile_overlayer_lowered  }
0x9b: {  	s22 =	simm.s32 $0x1BFF;
	s21 =	sshll.u32 s6, $0x1;
	s3 =	sadd.s32 s4, s19  }
0x9c: {  	s7 =	simm.s32 $0x0;
	s20 =	sshll.u32 s5, $0x1;
	s5 =	sadd.s32 s21, s3  }
0x9d: {  	[timem:s7], [sflag:s22] =	dma.local [hbm:s5], s20  }
0x9e: {  	_ =	swait.ge [sflag:s22], s20  }
0x9f: {  	s4 =	ssub.s32 $0x0, s20;
	[sflag:s22] =	ssyncset.done $0x0  }
0xa0: {  	[sflag:s22] =	ssyncadd.s32 s4;
	_ =	sdelay $0x1  }
0xa1: {  	s23 =	simm.s32 $0x1B8B  }
0xa2: {  	_ =	swait.ge [sflag:s23], $0x1  }
0xa3: {  	[sflag:s23] =	ssyncset.done $0x0  }
0xa4: {  	s25 =	simm.s32 $0x1B8E;
	s24 =	sld [smem:$0x3FFE];
	[sflag:s23] =	ssyncadd.s32 $0xFFFFFFFF  }
0xa5: {  	s26 =	simm.s32 $execute0_lowered;
	[smem:$0x3FD2] =	sst s25  }
0xa6: {  	s5 =	sshll.u32 s26, $0x1;
	_ =	strace $0x80000046;
	[dreg:$0x1] =	wrdreg $0xFFFFFFFF  }
0xa7: {  	s28 =	simm.s32 $_size_execute0_lowered;
	s3 =	sadd.s32 s3, s5;
	[dreg:$0x0] =	wrdreg $0x0  }
0xa8: {  	s5 =	sshll.u32 s28, $0x1;
	[dreg:$0x2] =	wrdreg s3  }
0xa9: {  	[dreg:$0x3] =	wrdreg s5  }
0xaa: {  	[dreg:$0x4] =	wrdreg $0xC0  }
0xab: {  	_ =	task [dreg:s7], $0x5FFFF  }
0xac: {  	[dreg:$0x1] =	wrdreg $0xFFFFFFFF  }
0xad: {  	[dreg:$0x0] =	wrdreg $0x60  }
0xae: {  	[dreg:$0x2] =	wrdreg s24  }
0xaf: {  	[dreg:$0x3] =	wrdreg s2  }
0xb0: {  	[dreg:$0x4] =	wrdreg $0x9  }
0xb1: {  	_ =	task.clear_ibuf [dreg:s7], $0x5FFFF;
	_ =	strace $0x90000046  }
0xb2: {  	s29 =	simm.s32 $0x9;
	_ =	strace $0x80000048  }
0xb3: {  	_ =	swait.ge [sflag:s29], $0x1  }
0xb4: {  	[sflag:s29] =	ssyncadd.s32 $0xFFFFFFFF  }
0xb5: {  	_ =	strace $0x90000048  }
0xb6: {  	_ =	sfence  }
0xb7: {  	s30 =	sld [smem:$0x0];
	_ =	sdelay $0x2  }
0xb8: {  	s31 =	sshll.u32 s1, $0xD;
	s1 =	sshrl.u32 s1, $0x2  }
0xb9: {  	s3 =	sand.u32 $0x4000, s31;
	s1 =	sadd.s32 s1, s30  }
0xba: {  	s0 =	sor.u32 s3, s0;
	s1 =	sshll.u32 s1, $0x11  }
0xbb: {  	s0 =	sor.u32 s1, s0  }
0xbc: {  	s0 =	sadd.s32 $0x8F2B, s0  }
0xbd: {  	[sflag:s0] =	ssyncadd.remote.s32 $0x1  }
0xbe: {  	_ =	sfence.sel $0xFFFF  }
0xbf: {  	[dreg:$0x0] =	wrdreg $0xFFFFFFFF;
	(pc) =	sbr.abs _section_cstart, $3  }
0xc0: {  	[dreg:$0x1] =	wrdreg $0xFFFFFFFF  }
0xc1: {  	_ =	task.clear_ibuf [dreg:s7], $0x2FFFF;
	_ =	strace $0x9FFFFFFF  }
0xc2: {  	(tm) =	ssettm $0x7FFFFFFF  }
0xc3: {  	_ =	shalt  }
tec
execute0_lowered:
.L_overlay_start_1:
0x0: {  	(tag) =	ssettag $0x1  }
0x1: {  	s1 =	srdreg.scid;
	s0 =	stileid.u32  }
0x2: {  	s6 =	sand.u32 $0x1, s1;
	s30 =	sshll.u32 s0, $0x1  }
0x3: {  	s5 =	rddreg [dreg:$0x0];
	s8 =	sor.u32 s6, s30  }
0x4: {  	s9 =	rddreg [dreg:$0x1];
	s2 =	simm.s32 $0x0;
	s3 =	smul.u32 $0x1A0, s8  }
0x5: {  	[smem:$0x7FF] =	sst s2  }
0x6: {  	s1 =	rddreg [dreg:$0x2];
	_ =	strace $0x80000047;
	s3 =	sadd.s32 s3, s5  }
0x7: {  	s10 =	ssub.s32 $0x2, s6;
	s4 =	sadd.s32 $0x1200, s3;
	s3 =	simm.s32 $0x2  }
0x8: {  	[tilespmem:s2], [sflag:$0x2] =	stream.linear.gather [hbm4b:s4+s2], $0xD00, $0x38;
	[tilespmem:$0x1AD00] =	vst v63  }
0x9: {  	s7 =	simm.s32 $0x1;
	s11 =	sshrl.u32 s10, $0x1;
	_ =	swait.ge [sflag:s3], $0xD00  }
0xa: {  	s6 =	simm.s32 $0xD00;
	s10 =	ssub.s32 s10, s11;
	[sflag:s3] =	ssyncset.done $0x0  }
0xb: {  	s5 =	sadd.s32 $0x27AD600, s5;
	s31 =	smax.u32 s10, $0x1;
	[sflag:s3] =	ssyncadd.s32 $0xFFFFF300  }
0xc: {  	[tilespmem:s6], [sflag:$0x1] =	stream.indirect.gather [hbm4b:s5+s6], $0x20, s2, s6, $0xb8;
	[tilespmem:$0x1AD00] =	vst v63  }
0xd: {  	s8 =	smul.u32 $0x3400, s8;
	p0 =	sne.s32 s31, $0x1;
	_ =	swait.ge [sflag:s7], $0x1A000  }
.Ltmp0:
0xe: {  	[sflag:s7] =	ssyncset.done $0x0;
	(pc) =	sbr.rel @!p0 .LBB2_2-.Ltmp0, $4  }
0xf: {  	s8 =	sadd.s32 s9, s8;
	[sflag:s7] =	ssyncadd.s32 $0xFFFE6000  }
0x10: {  	[hbm4b:s8+s2] =	stream.linear.scatter [tilespmem:s6], [sflag:$0x2], $0x1A000, $0x38;
	[tilespmem:$0x1AD00] =	vst v63  }
0x11: {  	_ =	swait.ge [sflag:s3], $0x1A000  }
0x12: {  	s9 =	sadd.s32 $0xFFFFFFFF, s31;
	[sflag:s3] =	ssyncset.done $0x0  }
.LBB2_1:
0x13: {  	p0 =	sne.s32 s9, $0x1;
	s9 =	sadd.s32 $0xFFFFFFFF, s9;
	[sflag:s3] =	ssyncadd.s32 $0xFFFE6000  }
0x14: {  	[tilespmem:s2], [sflag:$0x2] =	stream.linear.gather [hbm4b:s4+s2], $0xD00, $0x38;
	[tilespmem:$0x1AD00] =	vst v63  }
0x15: {  	_ =	swait.ge [sflag:s3], $0xD00  }
0x16: {  	[sflag:s3] =	ssyncset.done $0x0  }
0x17: {  	[sflag:s3] =	ssyncadd.s32 $0xFFFFF300  }
0x18: {  	[tilespmem:s6], [sflag:$0x1] =	stream.indirect.gather [hbm4b:s5+s6], $0x20, s2, s6, $0xb8;
	[tilespmem:$0x1AD00] =	vst v63  }
0x19: {  	_ =	swait.ge [sflag:s7], $0x1A000  }
.Ltmp1:
0x1a: {  	[sflag:s7] =	ssyncset.done $0x0;
	(pc) =	sbr.rel @p0 .LBB2_1-.Ltmp1, $4  }
0x1b: {  	[sflag:s7] =	ssyncadd.s32 $0xFFFE6000  }
0x1c: {  	[hbm4b:s8+s2] =	stream.linear.scatter [tilespmem:s6], [sflag:$0x2], $0x1A000, $0x38;
	[tilespmem:$0x1AD00] =	vst v63  }
0x1d: {  	_ =	swait.ge [sflag:s3], $0x1A000  }
0x1e: {  	[sflag:s3] =	ssyncset.done $0x0  }
.LBB2_2:
0x1f: {  	[sflag:s3] =	ssyncadd.s32 $0xFFFE6000  }
0x20: {  	_ =	sfence.sel $0x180000  }
0x21: {  	[bflag:$0x0] =	sbarrier.arrive $0xFFFF  }
0x22: {  	p0 =	sne.s32 s0, $0x0;
	_ =	strace $0x90000047  }
0x23: {  	s0 =	sadd.s32 @!p0 $0x100000, s1;
	[bflag:$0x2] =	sbarrier.arrive $0xFFFF  }
0x24: {  	[sflag:s0] =	ssyncadd.tile.s32 @!p0 $0x1;
	_ =	shalt  }
.Lfunc_end2:
_tile_overlayer_lowered:
.L_overlay_start_2:
0x25: {  	(tag) =	ssettag $0x2  }
0x26: {  	s0 =	rddreg [dreg:$0x0];
	s2 =	stileid.u32  }
0x27: {  	s1 =	rddreg [dreg:$0x1];
	p0 =	sne.s32 s2, $0x0  }
0x28: {  	s3 =	rddreg [dreg:$0x2];
	[bflag:$0x3] =	sbarrier.arrive $0xFFFF;
	s2 =	simm.s32 @!p0 $0x1C02  }
0x29: {  	[timem:s3], [sflag:s2] =	dma.local @!p0 [hbm:s0], s1  }
0x2a: {  	s0 =	simm.s32 @!p0 $0x2  }
0x2b: {  	_ =	swait.ge @!p0 [sflag:s0], s1  }
0x2c: {  	s1 =	ssub.s32 @!p0 $0x0, s1;
	[sflag:s0] =	ssyncset.done @!p0 $0x0  }
0x2d: {  	[sflag:s0] =	ssyncadd.s32 @!p0 s1  }
0x2e: {  	[bflag:$0x3] =	sbarrier.arrive $0xFFFF  }
0x2f: {  	_ =	shalt  }

</sc_bundles>
